<compile_context>
chip_gen: v7x
topology: tpu7x:2x2x1
jax: 0.10.2.dev20260603
libtpu: 0.0.44.dev20260713+nightly
codegen_flags: <defaults>
</compile_context>

<pallas_src>
import functools

import jax
import jax.numpy as jnp
from jax import lax
from jax.experimental import pallas as pl
from jax.experimental.pallas import tpu as pltpu
from jax.experimental.pallas import tpu_sc as plsc

_LANES = 16
_CHUNK = 16 * 1024
_NBUF = 3
_UNROLL = 4
_LSC = 256


def _make_sc_kernel(B, L, D):
    info = plsc.get_sparse_core_info()
    NC, NS = info.num_cores, info.num_subcores
    NW = NC * NS
    total = B * L * D
    per_w = total // NW
    emb_total = L * D
    n_chunks = per_w // _CHUNK

    mesh = plsc.VectorSubcoreMesh(core_axis_name="c", subcore_axis_name="s")

    @functools.partial(
        pl.kernel,
        mesh=mesh,
        out_type=jax.ShapeDtypeStruct((total,), jnp.float32),
        scratch_types=(
            [pltpu.VMEM((_CHUNK,), jnp.float32)] * (2 * _NBUF)
            + [
                pltpu.SemaphoreType.DMA((_NBUF,)),
                pltpu.SemaphoreType.DMA((_NBUF,)),
                pltpu.SemaphoreType.DMA((_NBUF,)),
            ]
        ),
    )
    def k(xf, ef, of, xb0, xb1, xb2, eb0, eb1, eb2, sem_x, sem_e, sem_o):
        xbs = (xb0, xb1, xb2)
        ebs = (eb0, eb1, eb2)
        wid = lax.axis_index("s") * NC + lax.axis_index("c")
        xbase = wid * per_w

        def xcopy(c):
            slot = c % _NBUF
            off = xbase + c * _CHUNK
            return pltpu.make_async_copy(
                xf.at[pl.ds(off, _CHUNK)], xbs[slot], sem_x.at[slot]
            )

        def ecopy(c):
            slot = c % _NBUF
            eoff = lax.rem(xbase + c * _CHUNK, emb_total)
            return pltpu.make_async_copy(
                ef.at[pl.ds(eoff, _CHUNK)], ebs[slot], sem_e.at[slot]
            )

        def ocopy(c):
            slot = c % _NBUF
            off = xbase + c * _CHUNK
            return pltpu.make_async_copy(
                xbs[slot], of.at[pl.ds(off, _CHUNK)], sem_o.at[slot]
            )

        for c in range(min(_NBUF - 1, n_chunks)):
            xcopy(c).start()
            ecopy(c).start()
        for c in range(n_chunks):
            slot = c % _NBUF
            nxt = c + _NBUF - 1
            if nxt < n_chunks:
                if c >= 1:
                    ocopy(c - 1).wait()
                xcopy(nxt).start()
                ecopy(nxt).start()
            xcopy(c).wait()
            ecopy(c).wait()

            def add_body(j, _, xv=xbs[slot], ev=ebs[slot]):
                base = j * (_LANES * _UNROLL)
                for u in range(_UNROLL):
                    s = pl.ds(base + u * _LANES, _LANES)
                    xv[s] = xv[s] + ev[s]
                return 0

            lax.fori_loop(0, _CHUNK // (_LANES * _UNROLL), add_body, 0)
            ocopy(c).start()
        for c in range(max(n_chunks - _NBUF, 0), n_chunks):
            ocopy(c).wait()

    return k


def _tc_add_kernel(x_ref, emb_ref, o_ref):
    o_ref[...] = x_ref[...] + emb_ref[...][None, :, :]


def _tc_pos_add(x, emb_slice):
    B, L, D = x.shape
    BLK = 256
    return pl.pallas_call(
        _tc_add_kernel,
        grid=(L // BLK,),
        in_specs=[
            pl.BlockSpec((B, BLK, D), lambda i: (0, i, 0)),
            pl.BlockSpec((BLK, D), lambda i: (i, 0)),
        ],
        out_specs=pl.BlockSpec((B, BLK, D), lambda i: (0, i, 0)),
        out_shape=jax.ShapeDtypeStruct((B, L, D), x.dtype),
    )(x, emb_slice)


def _sc_pos_add(x, emb_slice):
    B, L, D = x.shape
    out = _make_sc_kernel(B, L, D)(
        jnp.reshape(x, (-1,)), jnp.reshape(emb_slice, (-1,))
    )
    return jnp.reshape(out, (B, L, D))


def _pos_add_3d(x, emb_slice):
    B, L, D = x.shape
    lsc = _LSC
    if L <= lsc or (B * lsc * D) % (32 * _CHUNK) != 0 or (L - lsc) % 256 != 0:
        return _tc_pos_add(x, emb_slice)
    sc_out = _sc_pos_add(x[:, :lsc, :], emb_slice[:lsc])
    tc_out = _tc_pos_add(x[:, lsc:, :], emb_slice[lsc:])
    return jnp.concatenate([sc_out, tc_out], axis=1)


def kernel(x, emb_table):
    if x.ndim == 3:
        L = x.shape[-2]
        return _pos_add_3d(x, emb_table[:L])
    b, h, l, d = x.shape
    xr = jnp.reshape(jnp.transpose(x, (0, 2, 1, 3)), (b, l, h * d))
    xr = _pos_add_3d(xr, emb_table[:l])
    return jnp.transpose(jnp.reshape(xr, (b, l, h, d)), (0, 2, 1, 3))

# --- scband reference (transcript-rebuilt; emitter-appended) ---
"""Pipeline reference for scband-learnable-absolute-position-embedding-7576322310756 (READ-ONLY COPY).

The authoritative reference and input builder live on the scoring server;
editing this copy changes nothing except your own understanding.
"""

import jax, jax.numpy as jnp
import numpy as np

MAX_POS = 4096
HIDDEN = 1024

def setup_inputs(seed: int = 0) -> dict:
    key = jax.random.key(seed)
    k1, k2 = jax.random.split(key)
    x = jax.random.normal(k1, (4, 2048, 1024), dtype=jnp.float32)
    emb_table = jax.random.normal(k2, (MAX_POS, HIDDEN), dtype=jnp.float32) * 0.02
    return {"x": x, "emb_table": emb_table}

def reference(x, emb_table):
    # position_ids = arange(max_pos)[:seq_len]
    L = x.shape[-2]
    position_ids = jnp.arange(L)
    pos_emb = jnp.take(emb_table, position_ids, axis=0)  # (L, D)
    if x.ndim == 3:
        return x + pos_emb[None, :, :]
    elif x.ndim == 4:
        b, h, l, d = x.shape
        xr = jnp.reshape(jnp.transpose(x, (0, 2, 1, 3)), (b, l, h * d))
        xr = xr + pos_emb[None, :, :]
        xr = jnp.transpose(jnp.reshape(xr, (b, l, h, d)), (0, 2, 1, 3))
        return xr

if __name__ == "__main__":
    import jax
    _d = setup_inputs()
    print(jax.jit(kernel)(*tuple(_d.values())))

</pallas_src>

<mosaic_0001>
#map = affine_map<(d0, d1) -> (0)>
module attributes {stable_mosaic.version = 14 : i64} {
  func.func @k(%arg0: i32, %arg1: i32, %arg2: memref<1048576xf32, #tpu.memory_space<hbm>>, %arg3: memref<262144xf32, #tpu.memory_space<hbm>>, %arg4: memref<1048576xf32, #tpu.memory_space<hbm>>, %arg5: memref<16384xf32, #tpu.memory_space<vmem>>, %arg6: memref<16384xf32, #tpu.memory_space<vmem>>, %arg7: memref<16384xf32, #tpu.memory_space<vmem>>, %arg8: memref<16384xf32, #tpu.memory_space<vmem>>, %arg9: memref<16384xf32, #tpu.memory_space<vmem>>, %arg10: memref<16384xf32, #tpu.memory_space<vmem>>, %arg11: memref<3x!tpu.dma_semaphore, #tpu.memory_space<semaphore_mem>>, %arg12: memref<3x!tpu.dma_semaphore, #tpu.memory_space<semaphore_mem>>, %arg13: memref<3x!tpu.dma_semaphore, #tpu.memory_space<semaphore_mem>>) attributes {dimension_semantics = [#tpu.dimension_semantics<core_parallel>, #tpu.dimension_semantics<subcore_parallel>], iteration_bounds = array<i64: 2, 16>, scalar_prefetch = 0 : i64, scratch_operands = 9 : i64, tpu.core_type = #tpu.core_type<sc_vector_subcore>, window_params = [{transform_indices = #map}, {transform_indices = #map}, {transform_indices = #map}]} {
    %mul3A = arith.constant 2 : i32
    %mul3A_0 = arith.muli %arg1, %mul3A : i32
    %add3A = arith.addi %mul3A_0, %arg0 : i32
    %mul3A_1 = arith.constant 32768 : i32
    %mul3A_2 = arith.muli %add3A, %mul3A_1 : i32
    %add3A_3 = arith.constant 0 : i32
    %add3A_4 = arith.addi %mul3A_2, %add3A_3 : i32
    %dma_start3A = arith.constant 0 : i32
    %dma_start3A_5 = tpu.memref_slice %arg2[%add3A_4] : memref<1048576xf32, #tpu.memory_space<hbm>> -> memref<16384xf32, #tpu.memory_space<hbm>>
    %dma_start3A_6 = tpu.memref_slice %arg11[%dma_start3A] : memref<3x!tpu.dma_semaphore, #tpu.memory_space<semaphore_mem>> -> memref<1x!tpu.dma_semaphore, #tpu.memory_space<semaphore_mem>>
    %dma_start3A_7 = tpu.memref_squeeze %dma_start3A_6 : memref<1x!tpu.dma_semaphore, #tpu.memory_space<semaphore_mem>> -> memref<!tpu.dma_semaphore, #tpu.memory_space<semaphore_mem>>
    %dma_start3A_8 = tpu.memref_slice %arg2[%add3A_4] : memref<1048576xf32, #tpu.memory_space<hbm>> -> memref<16384xf32, #tpu.memory_space<hbm>>
    tpu.enqueue_dma source(%dma_start3A_8 : memref<16384xf32, #tpu.memory_space<hbm>>) target(%arg5 : memref<16384xf32, #tpu.memory_space<vmem>>) target_semaphore(%dma_start3A_7 : memref<!tpu.dma_semaphore, #tpu.memory_space<semaphore_mem>>)
    %add3A_9 = arith.constant 0 : i32
    %add3A_10 = arith.addi %mul3A_2, %add3A_9 : i32
    %rem3A = arith.constant 262144 : i32
    %rem3A_11 = arith.remsi %add3A_10, %rem3A : i32
    %dma_start3A_12 = arith.constant 0 : i32
    %dma_start3A_13 = tpu.memref_slice %arg3[%rem3A_11] : memref<262144xf32, #tpu.memory_space<hbm>> -> memref<16384xf32, #tpu.memory_space<hbm>>
    %dma_start3A_14 = tpu.memref_slice %arg12[%dma_start3A_12] : memref<3x!tpu.dma_semaphore, #tpu.memory_space<semaphore_mem>> -> memref<1x!tpu.dma_semaphore, #tpu.memory_space<semaphore_mem>>
    %dma_start3A_15 = tpu.memref_squeeze %dma_start3A_14 : memref<1x!tpu.dma_semaphore, #tpu.memory_space<semaphore_mem>> -> memref<!tpu.dma_semaphore, #tpu.memory_space<semaphore_mem>>
    %dma_start3A_16 = tpu.memref_slice %arg3[%rem3A_11] : memref<262144xf32, #tpu.memory_space<hbm>> -> memref<16384xf32, #tpu.memory_space<hbm>>
    tpu.enqueue_dma source(%dma_start3A_16 : memref<16384xf32, #tpu.memory_space<hbm>>) target(%arg8 : memref<16384xf32, #tpu.memory_space<vmem>>) target_semaphore(%dma_start3A_15 : memref<!tpu.dma_semaphore, #tpu.memory_space<semaphore_mem>>)
    %add3A_17 = arith.constant 16384 : i32
    %add3A_18 = arith.addi %mul3A_2, %add3A_17 : i32
    %dma_start3A_19 = arith.constant 1 : i32
    %dma_start3A_20 = tpu.memref_slice %arg2[%add3A_18] : memref<1048576xf32, #tpu.memory_space<hbm>> -> memref<16384xf32, #tpu.memory_space<hbm>>
    %dma_start3A_21 = tpu.memref_slice %arg11[%dma_start3A_19] : memref<3x!tpu.dma_semaphore, #tpu.memory_space<semaphore_mem>> -> memref<1x!tpu.dma_semaphore, #tpu.memory_space<semaphore_mem>>
    %dma_start3A_22 = tpu.memref_squeeze %dma_start3A_21 : memref<1x!tpu.dma_semaphore, #tpu.memory_space<semaphore_mem>> -> memref<!tpu.dma_semaphore, #tpu.memory_space<semaphore_mem>>
    %dma_start3A_23 = tpu.memref_slice %arg2[%add3A_18] : memref<1048576xf32, #tpu.memory_space<hbm>> -> memref<16384xf32, #tpu.memory_space<hbm>>
    tpu.enqueue_dma source(%dma_start3A_23 : memref<16384xf32, #tpu.memory_space<hbm>>) target(%arg6 : memref<16384xf32, #tpu.memory_space<vmem>>) target_semaphore(%dma_start3A_22 : memref<!tpu.dma_semaphore, #tpu.memory_space<semaphore_mem>>)
    %add3A_24 = arith.constant 16384 : i32
    %add3A_25 = arith.addi %mul3A_2, %add3A_24 : i32
    %rem3A_26 = arith.constant 262144 : i32
    %rem3A_27 = arith.remsi %add3A_25, %rem3A_26 : i32
    %dma_start3A_28 = arith.constant 1 : i32
    %dma_start3A_29 = tpu.memref_slice %arg3[%rem3A_27] : memref<262144xf32, #tpu.memory_space<hbm>> -> memref<16384xf32, #tpu.memory_space<hbm>>
    %dma_start3A_30 = tpu.memref_slice %arg12[%dma_start3A_28] : memref<3x!tpu.dma_semaphore, #tpu.memory_space<semaphore_mem>> -> memref<1x!tpu.dma_semaphore, #tpu.memory_space<semaphore_mem>>
    %dma_start3A_31 = tpu.memref_squeeze %dma_start3A_30 : memref<1x!tpu.dma_semaphore, #tpu.memory_space<semaphore_mem>> -> memref<!tpu.dma_semaphore, #tpu.memory_space<semaphore_mem>>
    %dma_start3A_32 = tpu.memref_slice %arg3[%rem3A_27] : memref<262144xf32, #tpu.memory_space<hbm>> -> memref<16384xf32, #tpu.memory_space<hbm>>
    tpu.enqueue_dma source(%dma_start3A_32 : memref<16384xf32, #tpu.memory_space<hbm>>) target(%arg9 : memref<16384xf32, #tpu.memory_space<vmem>>) target_semaphore(%dma_start3A_31 : memref<!tpu.dma_semaphore, #tpu.memory_space<semaphore_mem>>)
    %add3A_33 = arith.constant 0 : i32
    %add3A_34 = arith.addi %mul3A_2, %add3A_33 : i32
    %dma_wait3A = arith.constant 0 : i32
    %dma_wait3A_35 = tpu.memref_slice %arg2[%add3A_34] : memref<1048576xf32, #tpu.memory_space<hbm>> -> memref<16384xf32, #tpu.memory_space<hbm>>
    %dma_wait3A_36 = tpu.memref_slice %arg11[%dma_wait3A] : memref<3x!tpu.dma_semaphore, #tpu.memory_space<semaphore_mem>> -> memref<1x!tpu.dma_semaphore, #tpu.memory_space<semaphore_mem>>
    %dma_wait3A_37 = tpu.memref_squeeze %dma_wait3A_36 : memref<1x!tpu.dma_semaphore, #tpu.memory_space<semaphore_mem>> -> memref<!tpu.dma_semaphore, #tpu.memory_space<semaphore_mem>>
    %dma_wait3A_38 = tpu.memref_slice %arg2[%add3A_34] : memref<1048576xf32, #tpu.memory_space<hbm>> -> memref<16384xf32, #tpu.memory_space<hbm>>
    tpu.wait_dma2 semaphore(%dma_wait3A_37 : memref<!tpu.dma_semaphore, #tpu.memory_space<semaphore_mem>>) src(%dma_wait3A_38 : memref<16384xf32, #tpu.memory_space<hbm>>) dst(%arg5 : memref<16384xf32, #tpu.memory_space<vmem>>)
    %add3A_39 = arith.constant 0 : i32
    %add3A_40 = arith.addi %mul3A_2, %add3A_39 : i32
    %rem3A_41 = arith.constant 262144 : i32
    %rem3A_42 = arith.remsi %add3A_40, %rem3A_41 : i32
    %dma_wait3A_43 = arith.constant 0 : i32
    %dma_wait3A_44 = tpu.memref_slice %arg3[%rem3A_42] : memref<262144xf32, #tpu.memory_space<hbm>> -> memref<16384xf32, #tpu.memory_space<hbm>>
    %dma_wait3A_45 = tpu.memref_slice %arg12[%dma_wait3A_43] : memref<3x!tpu.dma_semaphore, #tpu.memory_space<semaphore_mem>> -> memref<1x!tpu.dma_semaphore, #tpu.memory_space<semaphore_mem>>
    %dma_wait3A_46 = tpu.memref_squeeze %dma_wait3A_45 : memref<1x!tpu.dma_semaphore, #tpu.memory_space<semaphore_mem>> -> memref<!tpu.dma_semaphore, #tpu.memory_space<semaphore_mem>>
    %dma_wait3A_47 = tpu.memref_slice %arg3[%rem3A_42] : memref<262144xf32, #tpu.memory_space<hbm>> -> memref<16384xf32, #tpu.memory_space<hbm>>
    tpu.wait_dma2 semaphore(%dma_wait3A_46 : memref<!tpu.dma_semaphore, #tpu.memory_space<semaphore_mem>>) src(%dma_wait3A_47 : memref<16384xf32, #tpu.memory_space<hbm>>) dst(%arg8 : memref<16384xf32, #tpu.memory_space<vmem>>)
    %scan3A = arith.constant 0 : i32
    %scan3A_48 = arith.constant 0 : i32
    %scan3A_49 = arith.constant 256 : i32
    %scan3A_50 = arith.addi %scan3A_48, %scan3A_49 : i32
    %scan3A_51 = arith.constant 1 : i32
    %scan3A_52 = scf.for %scan3A_105 = %scan3A_48 to %scan3A_50 step %scan3A_51 iter_args(%scan3A_106 = %scan3A) -> (i32)  : i32 {
      %mul3A_107 = arith.constant 64 : i32
      %mul3A_108 = arith.muli %scan3A_105, %mul3A_107 : i32
      %add3A_109 = arith.constant 0 : i32
      %add3A_110 = arith.addi %mul3A_108, %add3A_109 : i32
      %get3A = arith.index_cast %add3A_110 : i32 to index
      %get3A_111 = tpu.vector_load %arg5[%get3A] {strides = array<i32>} : memref<16384xf32, #tpu.memory_space<vmem>>, vector<16xf32>,
      %get3A_112 = vector.shape_cast %get3A_111 : vector<16xf32> to vector<16xf32>
      %get3A_113 = arith.index_cast %add3A_110 : i32 to index
      %get3A_114 = tpu.vector_load %arg8[%get3A_113] {strides = array<i32>} : memref<16384xf32, #tpu.memory_space<vmem>>, vector<16xf32>,
      %get3A_115 = vector.shape_cast %get3A_114 : vector<16xf32> to vector<16xf32>
      %add3A_116 = arith.addf %get3A_112, %get3A_115 : vector<16xf32>
      %swap3A = arith.index_cast %add3A_110 : i32 to index
      %swap3A_117 = tpu.vector_load %arg5[%swap3A] {strides = array<i32>} : memref<16384xf32, #tpu.memory_space<vmem>>, vector<16xf32>,
      %swap3A_118 = vector.shape_cast %swap3A_117 : vector<16xf32> to vector<16xf32>
      %swap3A_119 = vector.shape_cast %add3A_116 : vector<16xf32> to vector<16xf32>
      tpu.vector_store %arg5[%swap3A], %swap3A_119 {strides = array<i32>} : memref<16384xf32, #tpu.memory_space<vmem>>, vector<16xf32>,
      %add3A_120 = arith.constant 16 : i32
      %add3A_121 = arith.addi %mul3A_108, %add3A_120 : i32
      %get3A_122 = arith.index_cast %add3A_121 : i32 to index
      %get3A_123 = tpu.vector_load %arg5[%get3A_122] {strides = array<i32>} : memref<16384xf32, #tpu.memory_space<vmem>>, vector<16xf32>,
      %get3A_124 = vector.shape_cast %get3A_123 : vector<16xf32> to vector<16xf32>
      %get3A_125 = arith.index_cast %add3A_121 : i32 to index
      %get3A_126 = tpu.vector_load %arg8[%get3A_125] {strides = array<i32>} : memref<16384xf32, #tpu.memory_space<vmem>>, vector<16xf32>,
      %get3A_127 = vector.shape_cast %get3A_126 : vector<16xf32> to vector<16xf32>
      %add3A_128 = arith.addf %get3A_124, %get3A_127 : vector<16xf32>
      %swap3A_129 = arith.index_cast %add3A_121 : i32 to index
      %swap3A_130 = tpu.vector_load %arg5[%swap3A_129] {strides = array<i32>} : memref<16384xf32, #tpu.memory_space<vmem>>, vector<16xf32>,
      %swap3A_131 = vector.shape_cast %swap3A_130 : vector<16xf32> to vector<16xf32>
      %swap3A_132 = vector.shape_cast %add3A_128 : vector<16xf32> to vector<16xf32>
      tpu.vector_store %arg5[%swap3A_129], %swap3A_132 {strides = array<i32>} : memref<16384xf32, #tpu.memory_space<vmem>>, vector<16xf32>,
      %add3A_133 = arith.constant 32 : i32
      %add3A_134 = arith.addi %mul3A_108, %add3A_133 : i32
      %get3A_135 = arith.index_cast %add3A_134 : i32 to index
      %get3A_136 = tpu.vector_load %arg5[%get3A_135] {strides = array<i32>} : memref<16384xf32, #tpu.memory_space<vmem>>, vector<16xf32>,
      %get3A_137 = vector.shape_cast %get3A_136 : vector<16xf32> to vector<16xf32>
      %get3A_138 = arith.index_cast %add3A_134 : i32 to index
      %get3A_139 = tpu.vector_load %arg8[%get3A_138] {strides = array<i32>} : memref<16384xf32, #tpu.memory_space<vmem>>, vector<16xf32>,
      %get3A_140 = vector.shape_cast %get3A_139 : vector<16xf32> to vector<16xf32>
      %add3A_141 = arith.addf %get3A_137, %get3A_140 : vector<16xf32>
      %swap3A_142 = arith.index_cast %add3A_134 : i32 to index
      %swap3A_143 = tpu.vector_load %arg5[%swap3A_142] {strides = array<i32>} : memref<16384xf32, #tpu.memory_space<vmem>>, vector<16xf32>,
      %swap3A_144 = vector.shape_cast %swap3A_143 : vector<16xf32> to vector<16xf32>
      %swap3A_145 = vector.shape_cast %add3A_141 : vector<16xf32> to vector<16xf32>
      tpu.vector_store %arg5[%swap3A_142], %swap3A_145 {strides = array<i32>} : memref<16384xf32, #tpu.memory_space<vmem>>, vector<16xf32>,
      %add3A_146 = arith.constant 48 : i32
      %add3A_147 = arith.addi %mul3A_108, %add3A_146 : i32
      %get3A_148 = arith.index_cast %add3A_147 : i32 to index
      %get3A_149 = tpu.vector_load %arg5[%get3A_148] {strides = array<i32>} : memref<16384xf32, #tpu.memory_space<vmem>>, vector<16xf32>,
      %get3A_150 = vector.shape_cast %get3A_149 : vector<16xf32> to vector<16xf32>
      %get3A_151 = arith.index_cast %add3A_147 : i32 to index
      %get3A_152 = tpu.vector_load %arg8[%get3A_151] {strides = array<i32>} : memref<16384xf32, #tpu.memory_space<vmem>>, vector<16xf32>,
      %get3A_153 = vector.shape_cast %get3A_152 : vector<16xf32> to vector<16xf32>
      %add3A_154 = arith.addf %get3A_150, %get3A_153 : vector<16xf32>
      %swap3A_155 = arith.index_cast %add3A_147 : i32 to index
      %swap3A_156 = tpu.vector_load %arg5[%swap3A_155] {strides = array<i32>} : memref<16384xf32, #tpu.memory_space<vmem>>, vector<16xf32>,
      %swap3A_157 = vector.shape_cast %swap3A_156 : vector<16xf32> to vector<16xf32>
      %swap3A_158 = vector.shape_cast %add3A_154 : vector<16xf32> to vector<16xf32>
      tpu.vector_store %arg5[%swap3A_155], %swap3A_158 {strides = array<i32>} : memref<16384xf32, #tpu.memory_space<vmem>>, vector<16xf32>,
      %scan3A_159 = arith.constant 0 : i32
      scf.yield %scan3A_159 : i32
    }
    %scan3A_53 = arith.constant 256 : i32
    %add3A_54 = arith.constant 0 : i32
    %add3A_55 = arith.addi %mul3A_2, %add3A_54 : i32
    %dma_start3A_56 = arith.constant 0 : i32
    %dma_start3A_57 = tpu.memref_slice %arg4[%add3A_55] : memref<1048576xf32, #tpu.memory_space<hbm>> -> memref<16384xf32, #tpu.memory_space<hbm>>
    %dma_start3A_58 = tpu.memref_slice %arg13[%dma_start3A_56] : memref<3x!tpu.dma_semaphore, #tpu.memory_space<semaphore_mem>> -> memref<1x!tpu.dma_semaphore, #tpu.memory_space<semaphore_mem>>
    %dma_start3A_59 = tpu.memref_squeeze %dma_start3A_58 : memref<1x!tpu.dma_semaphore, #tpu.memory_space<semaphore_mem>> -> memref<!tpu.dma_semaphore, #tpu.memory_space<semaphore_mem>>
    %dma_start3A_60 = tpu.memref_slice %arg4[%add3A_55] : memref<1048576xf32, #tpu.memory_space<hbm>> -> memref<16384xf32, #tpu.memory_space<hbm>>
    tpu.enqueue_dma source(%arg5 : memref<16384xf32, #tpu.memory_space<vmem>>) target(%dma_start3A_60 : memref<16384xf32, #tpu.memory_space<hbm>>) target_semaphore(%dma_start3A_59 : memref<!tpu.dma_semaphore, #tpu.memory_space<semaphore_mem>>)
    %add3A_61 = arith.constant 16384 : i32
    %add3A_62 = arith.addi %mul3A_2, %add3A_61 : i32
    %dma_wait3A_63 = arith.constant 1 : i32
    %dma_wait3A_64 = tpu.memref_slice %arg2[%add3A_62] : memref<1048576xf32, #tpu.memory_space<hbm>> -> memref<16384xf32, #tpu.memory_space<hbm>>
    %dma_wait3A_65 = tpu.memref_slice %arg11[%dma_wait3A_63] : memref<3x!tpu.dma_semaphore, #tpu.memory_space<semaphore_mem>> -> memref<1x!tpu.dma_semaphore, #tpu.memory_space<semaphore_mem>>
    %dma_wait3A_66 = tpu.memref_squeeze %dma_wait3A_65 : memref<1x!tpu.dma_semaphore, #tpu.memory_space<semaphore_mem>> -> memref<!tpu.dma_semaphore, #tpu.memory_space<semaphore_mem>>
    %dma_wait3A_67 = tpu.memref_slice %arg2[%add3A_62] : memref<1048576xf32, #tpu.memory_space<hbm>> -> memref<16384xf32, #tpu.memory_space<hbm>>
    tpu.wait_dma2 semaphore(%dma_wait3A_66 : memref<!tpu.dma_semaphore, #tpu.memory_space<semaphore_mem>>) src(%dma_wait3A_67 : memref<16384xf32, #tpu.memory_space<hbm>>) dst(%arg6 : memref<16384xf32, #tpu.memory_space<vmem>>)
    %add3A_68 = arith.constant 16384 : i32
    %add3A_69 = arith.addi %mul3A_2, %add3A_68 : i32
    %rem3A_70 = arith.constant 262144 : i32
    %rem3A_71 = arith.remsi %add3A_69, %rem3A_70 : i32
    %dma_wait3A_72 = arith.constant 1 : i32
    %dma_wait3A_73 = tpu.memref_slice %arg3[%rem3A_71] : memref<262144xf32, #tpu.memory_space<hbm>> -> memref<16384xf32, #tpu.memory_space<hbm>>
    %dma_wait3A_74 = tpu.memref_slice %arg12[%dma_wait3A_72] : memref<3x!tpu.dma_semaphore, #tpu.memory_space<semaphore_mem>> -> memref<1x!tpu.dma_semaphore, #tpu.memory_space<semaphore_mem>>
    %dma_wait3A_75 = tpu.memref_squeeze %dma_wait3A_74 : memref<1x!tpu.dma_semaphore, #tpu.memory_space<semaphore_mem>> -> memref<!tpu.dma_semaphore, #tpu.memory_space<semaphore_mem>>
    %dma_wait3A_76 = tpu.memref_slice %arg3[%rem3A_71] : memref<262144xf32, #tpu.memory_space<hbm>> -> memref<16384xf32, #tpu.memory_space<hbm>>
    tpu.wait_dma2 semaphore(%dma_wait3A_75 : memref<!tpu.dma_semaphore, #tpu.memory_space<semaphore_mem>>) src(%dma_wait3A_76 : memref<16384xf32, #tpu.memory_space<hbm>>) dst(%arg9 : memref<16384xf32, #tpu.memory_space<vmem>>)
    %scan3A_77 = arith.constant 0 : i32
    %scan3A_78 = arith.constant 0 : i32
    %scan3A_79 = arith.constant 256 : i32
    %scan3A_80 = arith.addi %scan3A_78, %scan3A_79 : i32
    %scan3A_81 = arith.constant 1 : i32
    %scan3A_82 = scf.for %scan3A_105 = %scan3A_78 to %scan3A_80 step %scan3A_81 iter_args(%scan3A_106 = %scan3A_77) -> (i32)  : i32 {
      %mul3A_107 = arith.constant 64 : i32
      %mul3A_108 = arith.muli %scan3A_105, %mul3A_107 : i32
      %add3A_109 = arith.constant 0 : i32
      %add3A_110 = arith.addi %mul3A_108, %add3A_109 : i32
      %get3A = arith.index_cast %add3A_110 : i32 to index
      %get3A_111 = tpu.vector_load %arg6[%get3A] {strides = array<i32>} : memref<16384xf32, #tpu.memory_space<vmem>>, vector<16xf32>,
      %get3A_112 = vector.shape_cast %get3A_111 : vector<16xf32> to vector<16xf32>
      %get3A_113 = arith.index_cast %add3A_110 : i32 to index
      %get3A_114 = tpu.vector_load %arg9[%get3A_113] {strides = array<i32>} : memref<16384xf32, #tpu.memory_space<vmem>>, vector<16xf32>,
      %get3A_115 = vector.shape_cast %get3A_114 : vector<16xf32> to vector<16xf32>
      %add3A_116 = arith.addf %get3A_112, %get3A_115 : vector<16xf32>
      %swap3A = arith.index_cast %add3A_110 : i32 to index
      %swap3A_117 = tpu.vector_load %arg6[%swap3A] {strides = array<i32>} : memref<16384xf32, #tpu.memory_space<vmem>>, vector<16xf32>,
      %swap3A_118 = vector.shape_cast %swap3A_117 : vector<16xf32> to vector<16xf32>
      %swap3A_119 = vector.shape_cast %add3A_116 : vector<16xf32> to vector<16xf32>
      tpu.vector_store %arg6[%swap3A], %swap3A_119 {strides = array<i32>} : memref<16384xf32, #tpu.memory_space<vmem>>, vector<16xf32>,
      %add3A_120 = arith.constant 16 : i32
      %add3A_121 = arith.addi %mul3A_108, %add3A_120 : i32
      %get3A_122 = arith.index_cast %add3A_121 : i32 to index
      %get3A_123 = tpu.vector_load %arg6[%get3A_122] {strides = array<i32>} : memref<16384xf32, #tpu.memory_space<vmem>>, vector<16xf32>,
      %get3A_124 = vector.shape_cast %get3A_123 : vector<16xf32> to vector<16xf32>
      %get3A_125 = arith.index_cast %add3A_121 : i32 to index
      %get3A_126 = tpu.vector_load %arg9[%get3A_125] {strides = array<i32>} : memref<16384xf32, #tpu.memory_space<vmem>>, vector<16xf32>,
      %get3A_127 = vector.shape_cast %get3A_126 : vector<16xf32> to vector<16xf32>
      %add3A_128 = arith.addf %get3A_124, %get3A_127 : vector<16xf32>
      %swap3A_129 = arith.index_cast %add3A_121 : i32 to index
      %swap3A_130 = tpu.vector_load %arg6[%swap3A_129] {strides = array<i32>} : memref<16384xf32, #tpu.memory_space<vmem>>, vector<16xf32>,
      %swap3A_131 = vector.shape_cast %swap3A_130 : vector<16xf32> to vector<16xf32>
      %swap3A_132 = vector.shape_cast %add3A_128 : vector<16xf32> to vector<16xf32>
      tpu.vector_store %arg6[%swap3A_129], %swap3A_132 {strides = array<i32>} : memref<16384xf32, #tpu.memory_space<vmem>>, vector<16xf32>,
      %add3A_133 = arith.constant 32 : i32
      %add3A_134 = arith.addi %mul3A_108, %add3A_133 : i32
      %get3A_135 = arith.index_cast %add3A_134 : i32 to index
      %get3A_136 = tpu.vector_load %arg6[%get3A_135] {strides = array<i32>} : memref<16384xf32, #tpu.memory_space<vmem>>, vector<16xf32>,
      %get3A_137 = vector.shape_cast %get3A_136 : vector<16xf32> to vector<16xf32>
      %get3A_138 = arith.index_cast %add3A_134 : i32 to index
      %get3A_139 = tpu.vector_load %arg9[%get3A_138] {strides = array<i32>} : memref<16384xf32, #tpu.memory_space<vmem>>, vector<16xf32>,
      %get3A_140 = vector.shape_cast %get3A_139 : vector<16xf32> to vector<16xf32>
      %add3A_141 = arith.addf %get3A_137, %get3A_140 : vector<16xf32>
      %swap3A_142 = arith.index_cast %add3A_134 : i32 to index
      %swap3A_143 = tpu.vector_load %arg6[%swap3A_142] {strides = array<i32>} : memref<16384xf32, #tpu.memory_space<vmem>>, vector<16xf32>,
      %swap3A_144 = vector.shape_cast %swap3A_143 : vector<16xf32> to vector<16xf32>
      %swap3A_145 = vector.shape_cast %add3A_141 : vector<16xf32> to vector<16xf32>
      tpu.vector_store %arg6[%swap3A_142], %swap3A_145 {strides = array<i32>} : memref<16384xf32, #tpu.memory_space<vmem>>, vector<16xf32>,
      %add3A_146 = arith.constant 48 : i32
      %add3A_147 = arith.addi %mul3A_108, %add3A_146 : i32
      %get3A_148 = arith.index_cast %add3A_147 : i32 to index
      %get3A_149 = tpu.vector_load %arg6[%get3A_148] {strides = array<i32>} : memref<16384xf32, #tpu.memory_space<vmem>>, vector<16xf32>,
      %get3A_150 = vector.shape_cast %get3A_149 : vector<16xf32> to vector<16xf32>
      %get3A_151 = arith.index_cast %add3A_147 : i32 to index
      %get3A_152 = tpu.vector_load %arg9[%get3A_151] {strides = array<i32>} : memref<16384xf32, #tpu.memory_space<vmem>>, vector<16xf32>,
      %get3A_153 = vector.shape_cast %get3A_152 : vector<16xf32> to vector<16xf32>
      %add3A_154 = arith.addf %get3A_150, %get3A_153 : vector<16xf32>
      %swap3A_155 = arith.index_cast %add3A_147 : i32 to index
      %swap3A_156 = tpu.vector_load %arg6[%swap3A_155] {strides = array<i32>} : memref<16384xf32, #tpu.memory_space<vmem>>, vector<16xf32>,
      %swap3A_157 = vector.shape_cast %swap3A_156 : vector<16xf32> to vector<16xf32>
      %swap3A_158 = vector.shape_cast %add3A_154 : vector<16xf32> to vector<16xf32>
      tpu.vector_store %arg6[%swap3A_155], %swap3A_158 {strides = array<i32>} : memref<16384xf32, #tpu.memory_space<vmem>>, vector<16xf32>,
      %scan3A_159 = arith.constant 0 : i32
      scf.yield %scan3A_159 : i32
    }
    %scan3A_83 = arith.constant 256 : i32
    %add3A_84 = arith.constant 16384 : i32
    %add3A_85 = arith.addi %mul3A_2, %add3A_84 : i32
    %dma_start3A_86 = arith.constant 1 : i32
    %dma_start3A_87 = tpu.memref_slice %arg4[%add3A_85] : memref<1048576xf32, #tpu.memory_space<hbm>> -> memref<16384xf32, #tpu.memory_space<hbm>>
    %dma_start3A_88 = tpu.memref_slice %arg13[%dma_start3A_86] : memref<3x!tpu.dma_semaphore, #tpu.memory_space<semaphore_mem>> -> memref<1x!tpu.dma_semaphore, #tpu.memory_space<semaphore_mem>>
    %dma_start3A_89 = tpu.memref_squeeze %dma_start3A_88 : memref<1x!tpu.dma_semaphore, #tpu.memory_space<semaphore_mem>> -> memref<!tpu.dma_semaphore, #tpu.memory_space<semaphore_mem>>
    %dma_start3A_90 = tpu.memref_slice %arg4[%add3A_85] : memref<1048576xf32, #tpu.memory_space<hbm>> -> memref<16384xf32, #tpu.memory_space<hbm>>
    tpu.enqueue_dma source(%arg6 : memref<16384xf32, #tpu.memory_space<vmem>>) target(%dma_start3A_90 : memref<16384xf32, #tpu.memory_space<hbm>>) target_semaphore(%dma_start3A_89 : memref<!tpu.dma_semaphore, #tpu.memory_space<semaphore_mem>>)
    %add3A_91 = arith.constant 0 : i32
    %add3A_92 = arith.addi %mul3A_2, %add3A_91 : i32
    %dma_wait3A_93 = arith.constant 0 : i32
    %dma_wait3A_94 = tpu.memref_slice %arg4[%add3A_92] : memref<1048576xf32, #tpu.memory_space<hbm>> -> memref<16384xf32, #tpu.memory_space<hbm>>
    %dma_wait3A_95 = tpu.memref_slice %arg13[%dma_wait3A_93] : memref<3x!tpu.dma_semaphore, #tpu.memory_space<semaphore_mem>> -> memref<1x!tpu.dma_semaphore, #tpu.memory_space<semaphore_mem>>
    %dma_wait3A_96 = tpu.memref_squeeze %dma_wait3A_95 : memref<1x!tpu.dma_semaphore, #tpu.memory_space<semaphore_mem>> -> memref<!tpu.dma_semaphore, #tpu.memory_space<semaphore_mem>>
    %dma_wait3A_97 = tpu.memref_slice %arg4[%add3A_92] : memref<1048576xf32, #tpu.memory_space<hbm>> -> memref<16384xf32, #tpu.memory_space<hbm>>
    tpu.wait_dma2 semaphore(%dma_wait3A_96 : memref<!tpu.dma_semaphore, #tpu.memory_space<semaphore_mem>>) src(%arg5 : memref<16384xf32, #tpu.memory_space<vmem>>) dst(%dma_wait3A_97 : memref<16384xf32, #tpu.memory_space<hbm>>)
    %add3A_98 = arith.constant 16384 : i32
    %add3A_99 = arith.addi %mul3A_2, %add3A_98 : i32
    %dma_wait3A_100 = arith.constant 1 : i32
    %dma_wait3A_101 = tpu.memref_slice %arg4[%add3A_99] : memref<1048576xf32, #tpu.memory_space<hbm>> -> memref<16384xf32, #tpu.memory_space<hbm>>
    %dma_wait3A_102 = tpu.memref_slice %arg13[%dma_wait3A_100] : memref<3x!tpu.dma_semaphore, #tpu.memory_space<semaphore_mem>> -> memref<1x!tpu.dma_semaphore, #tpu.memory_space<semaphore_mem>>
    %dma_wait3A_103 = tpu.memref_squeeze %dma_wait3A_102 : memref<1x!tpu.dma_semaphore, #tpu.memory_space<semaphore_mem>> -> memref<!tpu.dma_semaphore, #tpu.memory_space<semaphore_mem>>
    %dma_wait3A_104 = tpu.memref_slice %arg4[%add3A_99] : memref<1048576xf32, #tpu.memory_space<hbm>> -> memref<16384xf32, #tpu.memory_space<hbm>>
    tpu.wait_dma2 semaphore(%dma_wait3A_103 : memref<!tpu.dma_semaphore, #tpu.memory_space<semaphore_mem>>) src(%arg6 : memref<16384xf32, #tpu.memory_space<vmem>>) dst(%dma_wait3A_104 : memref<16384xf32, #tpu.memory_space<hbm>>)
    return
  }
}

module attributes {stable_mosaic.version = 14 : i64} {
  func.func @_tc_add_kernel(%arg0: i32, %arg1: memref<4x256x1024xf32, #tpu.memory_space<vmem>>, %arg2: memref<256x1024xf32, #tpu.memory_space<vmem>>, %arg3: memref<4x256x1024xf32, #tpu.memory_space<vmem>>) attributes {dimension_semantics = [#tpu.dimension_semantics<arbitrary>], iteration_bounds = array<i64: 7>, scalar_prefetch = 0 : i64, scratch_operands = 0 : i64, tpu.core_type = #tpu.core_type<tc>, window_params = [{transform_indices = @transform_0, window_bounds = array<i64: 4, 256, 1024>}, {transform_indices = @transform_1, window_bounds = array<i64: 256, 1024>}, {transform_indices = @transform_2, window_bounds = array<i64: 4, 256, 1024>}]} {
    %get3A = arith.constant 0 : index
    %get3A_0 = arith.constant 0 : index
    %get3A_1 = arith.constant 0 : index
    %get3A_2 = vector.load %arg1[%get3A, %get3A_0, %get3A_1] : memref<4x256x1024xf32, #tpu.memory_space<vmem>>, vector<4x256x1024xf32>
    %get3A_3 = arith.constant 0 : index
    %get3A_4 = arith.constant 0 : index
    %get3A_5 = vector.load %arg2[%get3A_3, %get3A_4] : memref<256x1024xf32, #tpu.memory_space<vmem>>, vector<256x1024xf32>
    %broadcast_in_dim3A = vector.shape_cast %get3A_5 : vector<256x1024xf32> to vector<1x256x1024xf32>
    %add3A = vector.broadcast %broadcast_in_dim3A : vector<1x256x1024xf32> to vector<4x256x1024xf32>
    %add3A_6 = arith.addf %get3A_2, %add3A : vector<4x256x1024xf32>
    %swap3A = arith.constant 0 : index
    %swap3A_7 = arith.constant 0 : index
    %swap3A_8 = arith.constant 0 : index
    %swap3A_9 = vector.load %arg3[%swap3A, %swap3A_7, %swap3A_8] : memref<4x256x1024xf32, #tpu.memory_space<vmem>>, vector<4x256x1024xf32>
    tpu.vector_store %arg3[%swap3A, %swap3A_7, %swap3A_8], %add3A_6 {strides = array<i32>} : memref<4x256x1024xf32, #tpu.memory_space<vmem>>, vector<4x256x1024xf32>,
    return
  }
  func.func @transform_0(%arg0: i32) -> (i32, i32, i32) {
    %c0_i32 = arith.constant 0 : i32
    %c0_i32_0 = arith.constant 0 : i32
    %c0_i32_1 = arith.constant 0 : i32
    return %c0_i32, %arg0, %c0_i32_0 : i32, i32, i32
  }
  func.func @transform_1(%arg0: i32) -> (i32, i32) {
    %c0_i32 = arith.constant 0 : i32
    %c0_i32_0 = arith.constant 0 : i32
    return %arg0, %c0_i32 : i32, i32
  }
  func.func @transform_2(%arg0: i32) -> (i32, i32, i32) {
    %c0_i32 = arith.constant 0 : i32
    %c0_i32_0 = arith.constant 0 : i32
    %c0_i32_1 = arith.constant 0 : i32
    return %c0_i32, %arg0, %c0_i32_0 : i32, i32, i32
  }
}

</mosaic_0001>

<sc_bundles>
// kernel: kernel.4.cloned.1.call-start
scs
__scs_entry_jumppad:
0x0: {  	(pc) =	sbr.rel $0x88, $3  }
0x1: {  	(tag) =	ssettag $0x0;
	lr =	simm.s32 $0x1  }
0x2: {  	[smem:$0x3F9F] =	sst lr;
	_ =	strace $0xD0000000  }
0x3: {  	_ = 	snop  }
0x4: {  	_ = 	snop  }
0x5: {  	_ = 	snop  }
0x6: {  	_ = 	snop  }
0x7: {  	_ = 	snop  }
__scs_overlays_trampoline_lowered:
0x8: {  	[smem:$0x3FAE] =	sst s0  }
0x9: {  	[smem:$0x3FAF] =	sst s1  }
0xa: {  	[smem:$0x3FB0] =	sst s2  }
0xb: {  	[smem:$0x3FB1] =	sst s3  }
0xc: {  	[smem:$0x3FB2] =	sst s4  }
0xd: {  	[smem:$0x3FB3] =	sst s5  }
0xe: {  	[smem:$0x3FB4] =	sst s6  }
0xf: {  	[smem:$0x3FB5] =	sst s7  }
0x10: {  	[smem:$0x3FB6] =	sst s8  }
0x11: {  	[smem:$0x3FB7] =	sst s9;
	s0 =	simm.s32 @!p0 $0x0  }
0x12: {  	s1 =	sld [smem:$0x3F9D];
	s0 =	simm.s32 @p0 $0x1  }
0x13: {  	[smem:$0x3FB8] =	sst s0;
	s0 =	simm.s32 @!p1 $0x0  }
0x14: {  	s2 =	sld [smem:$0x3F9C];
	s0 =	simm.s32 @p1 $0x1  }
0x15: {  	[smem:$0x3FB9] =	sst s0;
	s0 =	simm.s32 @!p2 $0x0  }
0x16: {  	s3 =	sld [smem:$0x3FDB];
	s0 =	simm.s32 @p2 $0x1  }
0x17: {  	s4 =	simm.s32 $0x1BF5;
	[smem:$0x3FBB] =	sst s0  }
0x18: {  	s0 =	sld [smem:$0x3F9E];
	_ =	swait.ge [sflag:s4], $0x0  }
0x19: {  	s7 =	sld [smem:$0x3F9F]  }
0x1a: {  	s8 =	sadd.s32 $0xFFFFE003, lr  }
0x1b: {  	s9 =	sadd.s32 $0xFFFFFEF7, lr;
	s5 =	simm.s32 $0xFFFFFFFF;
	p2 =	slt.u32 s8, $0xFFFFF086  }
0x1c: {  	p1 =	slt.u32 s9, $0xF7A;
	s5 =	simm.s32 @!p2 $0x0  }
0x1d: {  	s5 =	simm.s32 @p1 $0x1;
	p0 =	seq.s32 s7, s2  }
0x1e: {  	s7 =	smul.u32 @!p0 $0xF7A, s2;
	p2 =	seq.s32 @!p0 s5, $0x0  }
0x1f: {  	s9 =	smul.u32 $0xF7A, s1;
	s8 =	simm.s32 @!p0 $0x1BF5;
	p2 =	por !p2, p0  }
0x20: {  	[sflag:s8] =	ssyncset.s32 @!p0 $0xFFFFF086;
	s6 =	sadd.s32 @!p0 s3, s7;
	s7 =	simm.s32 @!p0 $0x108  }
0x21: {  	s3 =	sadd.s32 s3, s9;
	s6 =	sadd.s32 @!p0 $0x88, s6;
	s7 =	simm.s32 @p2 $0x1082  }
0x22: {  	[simem:s7], [sflag:s8] =	dma.local @!p0 [hbm:s6], $0xF7A  }
0x23: {  	s9 =	sor.u32 $0xD0000000, s2;
	s6 =	simm.s32 $0x108;
	_ =	swait.ge @!p0 [sflag:s8], $0x0  }
0x24: {  	s3 =	sadd.s32 $0x88, s3;
	s6 =	simm.s32 @!p1 $0x1082;
	[sflag:s4] =	ssyncset.s32 $0xFFFFF086  }
0x25: {  	[simem:s6], [sflag:s4] =	dma.local [hbm:s3], $0xF7A  }
0x26: {  	[smem:$0x3F9F] =	sst s1;
	(tag) =	ssettag s2;
	_ =	strace s9  }
0x27: {  	s1 =	sld [smem:$0x3FAF]  }
0x28: {  	s2 =	sld [smem:$0x3FB0]  }
0x29: {  	s4 =	sld [smem:$0x3FB2]  }
0x2a: {  	p0 =	seq.s32 s5, $0x0;
	s5 =	sld [smem:$0x3FB3]  }
0x2b: {  	s6 =	sld [smem:$0x3FB4]  }
0x2c: {  	s7 =	sld [smem:$0x3FB5]  }
0x2d: {  	s3 =	simm.s32 $0x108;
	s8 =	sld [smem:$0x3FB6]  }
0x2e: {  	s3 =	simm.s32 @!p0 $0x1082;
	s9 =	sld [smem:$0x3FB7]  }
0x2f: {  	lr =	sadd.s32 s0, s3;
	s0 =	sld [smem:$0x3FAE]  }
0x30: {  	s3 =	sld [smem:$0x3FB1]  }
0x31: {  	[smem:$0x3FBA] =	sst s10  }
0x32: {  	s10 =	sld [smem:$0x3FB8];
	_ =	sdelay $0x3  }
0x33: {  	p0 =	seq.s32 s10, $0x1;
	s10 =	sld [smem:$0x3FBA];
	_ =	sdelay $0x3  }
0x34: {  	[smem:$0x3FBA] =	sst s10  }
0x35: {  	s10 =	sld [smem:$0x3FB9];
	_ =	sdelay $0x3  }
0x36: {  	p1 =	seq.s32 s10, $0x1;
	s10 =	sld [smem:$0x3FBA];
	_ =	sdelay $0x3  }
0x37: {  	[smem:$0x3FBA] =	sst s10  }
0x38: {  	s10 =	sld [smem:$0x3FBB]  }
0x39: {  	_ = 	snop;
	(pc) =	sbr.ind lr, $3  }
0x3a: {  	_ = 	snop  }
0x3b: {  	_ = 	snop  }
0x3c: {  	p2 =	seq.s32 s10, $0x1;
	s10 =	sld [smem:$0x3FBA]  }
0x3d: {  	_ =	shalt  }
0x3e: {  	_ =	shalt  }
0x3f: {  	_ =	shalt  }
0x40: {  	_ =	shalt  }
0x41: {  	_ =	shalt  }
0x42: {  	_ =	shalt  }
0x43: {  	_ =	shalt  }
0x44: {  	_ =	shalt  }
0x45: {  	_ =	shalt  }
0x46: {  	_ =	shalt  }
0x47: {  	_ =	shalt  }
0x48: {  	_ =	shalt  }
0x49: {  	_ =	shalt  }
0x4a: {  	_ =	shalt  }
0x4b: {  	_ =	shalt  }
0x4c: {  	_ =	shalt  }
0x4d: {  	_ =	shalt  }
0x4e: {  	_ =	shalt  }
0x4f: {  	_ =	shalt  }
0x50: {  	_ =	shalt  }
0x51: {  	_ =	shalt  }
0x52: {  	_ =	shalt  }
0x53: {  	_ =	shalt  }
0x54: {  	_ =	shalt  }
0x55: {  	_ =	shalt  }
0x56: {  	_ =	shalt  }
0x57: {  	_ =	shalt  }
0x58: {  	_ =	shalt  }
0x59: {  	_ =	shalt  }
0x5a: {  	_ =	shalt  }
0x5b: {  	_ =	shalt  }
0x5c: {  	_ =	shalt  }
0x5d: {  	_ =	shalt  }
0x5e: {  	_ =	shalt  }
0x5f: {  	_ =	shalt  }
0x60: {  	_ =	shalt  }
0x61: {  	_ =	shalt  }
0x62: {  	_ =	shalt  }
0x63: {  	_ =	shalt  }
0x64: {  	_ =	shalt  }
0x65: {  	_ =	shalt  }
0x66: {  	_ =	shalt  }
0x67: {  	_ =	shalt  }
0x68: {  	_ =	shalt  }
0x69: {  	_ =	shalt  }
0x6a: {  	_ =	shalt  }
0x6b: {  	_ =	shalt  }
0x6c: {  	_ =	shalt  }
0x6d: {  	_ =	shalt  }
0x6e: {  	_ =	shalt  }
0x6f: {  	_ =	shalt  }
0x70: {  	_ =	shalt  }
0x71: {  	_ =	shalt  }
0x72: {  	_ =	shalt  }
0x73: {  	_ =	shalt  }
0x74: {  	_ =	shalt  }
0x75: {  	_ =	shalt  }
0x76: {  	_ =	shalt  }
0x77: {  	_ =	shalt  }
0x78: {  	_ =	shalt  }
0x79: {  	_ =	shalt  }
0x7a: {  	_ =	shalt  }
0x7b: {  	_ =	shalt  }
0x7c: {  	_ =	shalt  }
0x7d: {  	_ =	shalt  }
0x7e: {  	_ =	shalt  }
0x7f: {  	_ =	shalt  }
0x80: {  	_ =	shalt  }
0x81: {  	_ =	shalt  }
0x82: {  	_ =	shalt  }
0x83: {  	_ =	shalt  }
0x84: {  	_ =	shalt  }
0x85: {  	_ =	shalt  }
0x86: {  	_ =	shalt  }
0x87: {  	_ =	shalt  }
.Lfunc_end0:
.L_simem_size_0:
called_computation_lowered:
.L_overlay_start_0:
0x88: {  	s2 =	sld [smem:$0x3FD9]  }
0x89: {  	s3 =	sld [smem:$0x3FFE];
	_ =	sdelay $0x1  }
0x8a: {  	s1 =	srdreg.scid  }
0x8b: {  	s0 =	sand.u32 $0x1, s1  }
0x8c: {  	s16 =	sshll.u32 s0, $0xA;
	s2 =	sadd.s32 s3, s2  }
0x8d: {  	s2 =	sadd.s32 s2, s16  }
0x8e: {  	[smem:$0x3FC6] =	sst s2  }
0x8f: {  	_ = 	snop  }
0x90: {  	(tm) =	ssettm $0x1  }
0x91: {  	s17 =	sld [smem:$0x3FFB];
	_ =	sdelay $0x3  }
0x92: {  	_ =	strace s17  }
0x93: {  	s2 =	sld [smem:$0x3FFC];
	_ =	sdelay $0x3  }
0x94: {  	_ =	strace s2  }
0x95: {  	s2 =	sld [smem:$0x3FFD];
	_ =	sdelay $0x3  }
0x96: {  	_ =	strace s2  }
0x97: {  	_ =	strace $0x8FFFFFFF  }
0x98: {  	s18 =	sld [smem:$0x3FDB];
	_ =	sdelay $0x1  }
0x99: {  	s19 =	simm.s32 $_scs_section_size  }
0x9a: {  	s4 =	simm.s32 $_size__tile_overlayer_lowered;
	s5 =	simm.s32 $_tile_overlayer_lowered  }
0x9b: {  	s22 =	simm.s32 $0x1BFF;
	s21 =	sshll.u32 s5, $0x1;
	s2 =	sadd.s32 s19, s18  }
0x9c: {  	s6 =	simm.s32 $0x0;
	s20 =	sshll.u32 s4, $0x1;
	s4 =	sadd.s32 s21, s2  }
0x9d: {  	[timem:s6], [sflag:s22] =	dma.local [hbm:s4], s20  }
0x9e: {  	_ =	swait.ge [sflag:s22], s20  }
0x9f: {  	s3 =	ssub.s32 $0x0, s20;
	[sflag:s22] =	ssyncset.done $0x0  }
0xa0: {  	[sflag:s22] =	ssyncadd.s32 s3;
	_ =	sdelay $0x1  }
0xa1: {  	s23 =	simm.s32 $0x1B8B  }
0xa2: {  	_ =	swait.ge [sflag:s23], $0x1  }
0xa3: {  	[sflag:s23] =	ssyncset.done $0x0  }
0xa4: {  	s25 =	simm.s32 $0x1B8E;
	s24 =	sld [smem:$0x3FFE];
	[sflag:s23] =	ssyncadd.s32 $0xFFFFFFFF  }
0xa5: {  	s26 =	simm.s32 $execute0_lowered;
	[smem:$0x3FD2] =	sst s25  }
0xa6: {  	s4 =	sshll.u32 s26, $0x1;
	_ =	strace $0x80000046;
	[dreg:$0x1] =	wrdreg $0xFFFFFFFF  }
0xa7: {  	s28 =	simm.s32 $_size_execute0_lowered;
	s2 =	sadd.s32 s2, s4;
	[dreg:$0x0] =	wrdreg $0x0  }
0xa8: {  	s4 =	sshll.u32 s28, $0x1;
	[dreg:$0x2] =	wrdreg s2  }
0xa9: {  	[dreg:$0x3] =	wrdreg s4  }
0xaa: {  	[dreg:$0x4] =	wrdreg $0xC0  }
0xab: {  	_ =	task [dreg:s6], $0x5FFFF  }
0xac: {  	[dreg:$0x1] =	wrdreg $0xFFFFFFFF  }
0xad: {  	[dreg:$0x0] =	wrdreg $0x60  }
0xae: {  	[dreg:$0x2] =	wrdreg s24  }
0xaf: {  	[dreg:$0x3] =	wrdreg $0x9  }
0xb0: {  	_ =	task.clear_ibuf [dreg:s6], $0x4FFFF;
	_ =	strace $0x90000046  }
0xb1: {  	s29 =	simm.s32 $0x9;
	_ =	strace $0x80000048  }
0xb2: {  	_ =	swait.ge [sflag:s29], $0x1  }
0xb3: {  	[sflag:s29] =	ssyncadd.s32 $0xFFFFFFFF  }
0xb4: {  	_ =	strace $0x90000048  }
0xb5: {  	_ =	sfence  }
0xb6: {  	s30 =	sld [smem:$0x0];
	_ =	sdelay $0x2  }
0xb7: {  	s31 =	sshll.u32 s1, $0xD;
	s1 =	sshrl.u32 s1, $0x2  }
0xb8: {  	s3 =	sand.u32 $0x4000, s31;
	s1 =	sadd.s32 s1, s30  }
0xb9: {  	s0 =	sor.u32 s3, s0;
	s1 =	sshll.u32 s1, $0x11  }
0xba: {  	s0 =	sor.u32 s1, s0  }
0xbb: {  	s0 =	sadd.s32 $0x8F2B, s0  }
0xbc: {  	[sflag:s0] =	ssyncadd.remote.s32 $0x1  }
0xbd: {  	_ =	sfence.sel $0xFFFF  }
0xbe: {  	[dreg:$0x0] =	wrdreg $0xFFFFFFFF;
	(pc) =	sbr.abs _section_cstart, $3  }
0xbf: {  	[dreg:$0x1] =	wrdreg $0xFFFFFFFF  }
0xc0: {  	_ =	task.clear_ibuf [dreg:s6], $0x2FFFF;
	_ =	strace $0x9FFFFFFF  }
0xc1: {  	(tm) =	ssettm $0x7FFFFFFF  }
tec
execute0_lowered:
.L_overlay_start_1:
0x0: {  	(tag) =	ssettag $0x1  }
0x1: {  	s3 =	rddreg [dreg:$0x0]  }
0x2: {  	s0 =	rddreg [dreg:$0x1];
	s1 =	simm.s32 $0x0;
	s4 =	srdreg.scid  }
0x3: {  	s2 =	stileid.u32;
	s12 =	simm.s32 $0xC000;
	s13 =	simm.s32 $0x1  }
0x4: {  	s14 =	simm.s32 $0x4;
	s15 =	simm.s32 $0x2;
	s16 =	simm.s32 $0x5  }
0x5: {  	s17 =	simm.s32 $0x7;
	s18 =	simm.s32 $0x8;
	s19 =	simm.s32 $0x0  }
0x6: {  	[smem:$0x7FF] =	sst s1;
	s5 =	sadd.s32 $0x400, s3;
	s4 =	sand.u32 $0x1, s4  }
0x7: {  	s6 =	sadd.s32 $0x20400, s3;
	s8 =	sshll.u32 s2, $0xD;
	s7 =	ssub.s32 $0x2, s4  }
0x8: {  	s9 =	sadd.s32 $0x28400, s3;
	s4 =	sshll.u32 s4, $0xC;
	s30 =	sshrl.u32 s7, $0x1  }
0x9: {  	_ =	strace $0x80000047;
	s8 =	sor.u32 s4, s8;
	s10 =	ssub.s32 s7, s30  }
0xa: {  	s4 =	sand.u32 $0x7000, s8;
	s11 =	sor.u32 $0x800, s8;
	s3 =	sadd.s32 s5, s8  }
0xb: {  	s7 =	sadd.s32 s9, s8;
	s4 =	sadd.s32 s6, s4;
	s31 =	sand.u32 $0x7800, s11  }
0xc: {  	s5 =	sadd.s32 s5, s11;
	s8 =	sadd.s32 s9, s11;
	s9 =	smax.u32 s10, $0x1  }
0xd: {  	s10 =	simm.s32 $0x8000;
	s11 =	simm.s32 $0x4000;
	s6 =	sadd.s32 s6, s31  }
.LBB2_1:
0xe: {  	[tilespmem:s1], [sflag:$0x1] =	stream.linear.gather [hbm4b:s3+s1], $0x4000, $0x38;
	[tilespmem:$0x10000] =	vst v63  }
0xf: {  	_ = 	snop  }
0x10: {  	[tilespmem:s10], [sflag:$0x4] =	stream.linear.gather [hbm4b:s4+s1], $0x4000, $0x38;
	[tilespmem:$0x10000] =	vst v63  }
0x11: {  	_ = 	snop  }
0x12: {  	[tilespmem:s11], [sflag:$0x2] =	stream.linear.gather [hbm4b:s5+s1], $0x4000, $0x38;
	[tilespmem:$0x10000] =	vst v63  }
0x13: {  	_ = 	snop  }
0x14: {  	[tilespmem:s12], [sflag:$0x5] =	stream.linear.gather [hbm4b:s6+s1], $0x4000, $0x38;
	[tilespmem:$0x10000] =	vst v63  }
0x15: {  	_ =	swait.ge [sflag:s13], $0x4000  }
0x16: {  	[sflag:s13] =	ssyncset.done $0x0  }
0x17: {  	[sflag:s13] =	ssyncadd.s32 $0xFFFFC000  }
0x18: {  	_ =	swait.ge [sflag:s14], $0x4000  }
0x19: {  	[sflag:s14] =	ssyncset.done $0x0  }
0x1a: {  	s20 =	simm.s32 $0x0;
	[sflag:s14] =	ssyncadd.s32 $0xFFFFC000  }
0x1b: {  	v5 =	vld [tilespmem:s20+$0x8000]  }
0x1c: {  	v6 =	vld [tilespmem:s20+$0x8010]  }
0x1d: {  	v1 =	vld [tilespmem:s20+$0x8020]  }
0x1e: {  	v0 =	vld [tilespmem:s20+$0x8030]  }
0x1f: {  	v2 =	vld [tilespmem:s20+$0x0]  }
0x20: {  	v4 =	vld [tilespmem:s20+$0x10]  }
0x21: {  	s21 =	simm.s32 $0x100;
	v3 =	vld [tilespmem:s20+$0x20]  }
.LBB2_2:
0x22: {  	s22 =	sshra.s32 s21, $0x2;
	p0 =	sne.s32 s21, $0xFF00;
	v7 =	vld [tilespmem:s20+$0x30];
	v8 =	vmov v1  }
0x23: {  	v9 =	vld [tilespmem:s22+$0x8000];
	v10 =	vmov v0  }
0x24: {  	v11 =	vld [tilespmem:s22+$0x8010];
	v2 =	vadd.f32 v5, v2  }
.Ltmp0:
0x25: {  	v1 =	vld [tilespmem:s22+$0x8020];
	v4 =	vadd.f32 v6, v4;
	(pc) =	sbr.rel @p0 .LBB2_2-.Ltmp0, $4  }
0x26: {  	v0 =	vld [tilespmem:s22+$0x8030];
	[tilespmem:s20+$0x0] =	vst v2;
	v3 =	vadd.f32 v8, v3  }
0x27: {  	v2 =	vld [tilespmem:s22+$0x0];
	[tilespmem:s20+$0x10] =	vst v4;
	v7 =	vadd.f32 v10, v7  }
0x28: {  	v4 =	vld [tilespmem:s22+$0x10];
	[tilespmem:s20+$0x20] =	vst v3;
	v5 =	vmov v9  }
0x29: {  	s21 =	sadd.s32 $0x100, s21;
	v3 =	vld [tilespmem:s22+$0x20];
	[tilespmem:s20+$0x30] =	vst v7;
	v6 =	vmov v11;
	s20 =	smov.u32 s22  }
0x2a: {  	v7 =	vld [tilespmem:s20+$0x30];
	_ =	sdelay $0x1  }
0x2b: {  	v2 =	vadd.f32 v5, v2  }
0x2c: {  	v4 =	vadd.f32 v6, v4  }
0x2d: {  	[tilespmem:s20+$0x0] =	vst v2;
	v1 =	vadd.f32 v1, v3  }
0x2e: {  	[tilespmem:s20+$0x10] =	vst v4;
	v0 =	vadd.f32 v0, v7  }
0x2f: {  	[tilespmem:s20+$0x20] =	vst v1  }
0x30: {  	s31 =	simm.s32 $0x0;
	[tilespmem:s20+$0x30] =	vst v0  }
0x31: {  	[hbm4b:s7+s31] =	stream.linear.scatter [tilespmem:s31], [sflag:$0x7], $0x4000, $0x38;
	[tilespmem:$0x10000] =	vst v63  }
0x32: {  	_ =	swait.ge [sflag:s15], $0x4000  }
0x33: {  	[sflag:s15] =	ssyncset.done $0x0  }
0x34: {  	[sflag:s15] =	ssyncadd.s32 $0xFFFFC000  }
0x35: {  	_ =	swait.ge [sflag:s16], $0x4000  }
0x36: {  	[sflag:s16] =	ssyncset.done $0x0  }
0x37: {  	s20 =	simm.s32 $0x0;
	[sflag:s16] =	ssyncadd.s32 $0xFFFFC000  }
0x38: {  	v5 =	vld [tilespmem:s20+$0xC000]  }
0x39: {  	v6 =	vld [tilespmem:s20+$0xC010]  }
0x3a: {  	v1 =	vld [tilespmem:s20+$0xC020]  }
0x3b: {  	v0 =	vld [tilespmem:s20+$0xC030]  }
0x3c: {  	v2 =	vld [tilespmem:s20+$0x4000]  }
0x3d: {  	v4 =	vld [tilespmem:s20+$0x4010]  }
0x3e: {  	s21 =	simm.s32 $0x100;
	v3 =	vld [tilespmem:s20+$0x4020]  }
.LBB2_4:
0x3f: {  	s22 =	sshra.s32 s21, $0x2;
	p0 =	sne.s32 s21, $0xFF00;
	v7 =	vld [tilespmem:s20+$0x4030];
	v8 =	vmov v1  }
0x40: {  	v9 =	vld [tilespmem:s22+$0xC000];
	v10 =	vmov v0  }
0x41: {  	v11 =	vld [tilespmem:s22+$0xC010];
	v2 =	vadd.f32 v5, v2  }
.Ltmp1:
0x42: {  	v1 =	vld [tilespmem:s22+$0xC020];
	v4 =	vadd.f32 v6, v4;
	(pc) =	sbr.rel @p0 .LBB2_4-.Ltmp1, $4  }
0x43: {  	v0 =	vld [tilespmem:s22+$0xC030];
	[tilespmem:s20+$0x4000] =	vst v2;
	v3 =	vadd.f32 v8, v3  }
0x44: {  	v2 =	vld [tilespmem:s22+$0x4000];
	[tilespmem:s20+$0x4010] =	vst v4;
	v7 =	vadd.f32 v10, v7  }
0x45: {  	v4 =	vld [tilespmem:s22+$0x4010];
	[tilespmem:s20+$0x4020] =	vst v3;
	v5 =	vmov v9  }
0x46: {  	s21 =	sadd.s32 $0x100, s21;
	v3 =	vld [tilespmem:s22+$0x4020];
	[tilespmem:s20+$0x4030] =	vst v7;
	v6 =	vmov v11;
	s20 =	smov.u32 s22  }
0x47: {  	v7 =	vld [tilespmem:s20+$0x4030];
	_ =	sdelay $0x1  }
0x48: {  	v2 =	vadd.f32 v5, v2  }
0x49: {  	v4 =	vadd.f32 v6, v4  }
0x4a: {  	[tilespmem:s20+$0x4000] =	vst v2;
	v1 =	vadd.f32 v1, v3  }
0x4b: {  	[tilespmem:s20+$0x4010] =	vst v4;
	v0 =	vadd.f32 v0, v7  }
0x4c: {  	[tilespmem:s20+$0x4020] =	vst v1  }
0x4d: {  	s19 =	sadd.s32 $0x1, s19;
	[tilespmem:s20+$0x4030] =	vst v0  }
0x4e: {  	[hbm4b:s8+s1] =	stream.linear.scatter [tilespmem:s11], [sflag:$0x8], $0x4000, $0x38;
	[tilespmem:$0x10000] =	vst v63  }
0x4f: {  	p0 =	sne.s32 s19, s9;
	_ =	swait.ge [sflag:s17], $0x4000  }
.Ltmp2:
0x50: {  	[sflag:s17] =	ssyncset.done $0x0;
	(pc) =	sbr.rel @p0 .LBB2_1-.Ltmp2, $4  }
0x51: {  	[sflag:s17] =	ssyncadd.s32 $0xFFFFC000  }
0x52: {  	_ =	swait.ge [sflag:s18], $0x4000  }
0x53: {  	[sflag:s18] =	ssyncset.done $0x0  }
0x54: {  	[sflag:s18] =	ssyncadd.s32 $0xFFFFC000  }
0x55: {  	_ =	sfence.sel $0x180000  }
0x56: {  	[bflag:$0x0] =	sbarrier.arrive $0xFFFF  }
0x57: {  	p0 =	sne.s32 s2, $0x0;
	_ =	strace $0x90000047  }
0x58: {  	s0 =	sadd.s32 @!p0 $0x100000, s0;
	[bflag:$0x2] =	sbarrier.arrive $0xFFFF  }
0x59: {  	[sflag:s0] =	ssyncadd.tile.s32 @!p0 $0x1;
	_ =	shalt  }
.Lfunc_end2:
_tile_overlayer_lowered:
.L_overlay_start_2:
0x5a: {  	(tag) =	ssettag $0x2  }
0x5b: {  	s0 =	rddreg [dreg:$0x0];
	s2 =	stileid.u32  }
0x5c: {  	s1 =	rddreg [dreg:$0x1];
	p0 =	sne.s32 s2, $0x0  }
0x5d: {  	s3 =	rddreg [dreg:$0x2];
	[bflag:$0x3] =	sbarrier.arrive $0xFFFF;
	s2 =	simm.s32 @!p0 $0x1C0A  }
0x5e: {  	[timem:s3], [sflag:s2] =	dma.local @!p0 [hbm:s0], s1  }
0x5f: {  	s0 =	simm.s32 @!p0 $0xA  }
0x60: {  	_ =	swait.ge @!p0 [sflag:s0], s1  }
0x61: {  	s1 =	ssub.s32 @!p0 $0x0, s1;
	[sflag:s0] =	ssyncset.done @!p0 $0x0  }
0x62: {  	[sflag:s0] =	ssyncadd.s32 @!p0 s1  }
0x63: {  	[bflag:$0x3] =	sbarrier.arrive $0xFFFF  }
0x64: {  	_ =	shalt  }

</sc_bundles>
